<compile_context>
chip_gen: v7x
topology: tpu7x:2x2x1
jax: 0.10.2.dev20260603
libtpu: 0.0.44.dev20260713+nightly
codegen_flags: <defaults>
</compile_context>

<pallas_src>
import functools

import jax
import jax.numpy as jnp
from jax.experimental import pallas as pl
from jax.experimental.pallas import tpu as pltpu
from jax.experimental.pallas import tpu_sc as plsc

DIM = 64
L = 20
BBLK = 128
NEG = -9e15
ALPHA_SLOPE = 0.2


@functools.lru_cache(maxsize=None)
def _make_sc_gather(V, D, Btot):
    info = plsc.get_sparse_core_info()
    NC, NS = info.num_cores, info.num_subcores
    NW = NC * NS
    assert Btot % NW == 0 and (Btot // NW) % 8 == 0
    b_per_w = Btot // NW
    mesh = plsc.VectorSubcoreMesh(core_axis_name="c", subcore_axis_name="s")

    @functools.partial(
        pl.kernel,
        mesh=mesh,
        compiler_params=pltpu.CompilerParams(use_tc_tiling_on_sc=False),
        out_type=jax.ShapeDtypeStruct((Btot, D), jnp.float32),
        scratch_types=[
            pltpu.VMEM((b_per_w,), jnp.int32),
            pltpu.VMEM((b_per_w, D), jnp.float32),
            pltpu.SemaphoreType.DMA,
        ],
    )
    def gather_k(table_hbm, idx_hbm, out_hbm, idx_v, rows_v, sem):
        wid = jax.lax.axis_index("s") * NC + jax.lax.axis_index("c")
        base = wid * b_per_w
        pltpu.sync_copy(idx_hbm.at[pl.ds(base, b_per_w)], idx_v)
        pltpu.async_copy(table_hbm.at[idx_v], rows_v, sem).wait()
        pltpu.sync_copy(rows_v, out_hbm.at[pl.ds(base, b_per_w)])

    return gather_k


def _attn_body(h_ref, adj_ref, aw_ref, out_ref):
    H = h_ref[...].reshape(BBLK, L, DIM)
    aw = aw_ref[...]
    adj = adj_ref[...].reshape(BBLK, L, L)

    Hb = H.astype(jnp.bfloat16)
    awb = aw.astype(jnp.bfloat16)
    alpha = jnp.full((BBLK, L, L), NEG, dtype=jnp.float32)
    for k in range(4):
        hw = Hb * awb[k, :][None, None, :]
        e = jax.lax.dot_general(hw, Hb, (((2,), (2,)), ((0,), (0,))),
                                preferred_element_type=jnp.float32)
        alpha = jnp.where(adj == k + 1, e, alpha)

    alpha = jnp.where(alpha > 0, alpha, ALPHA_SLOPE * alpha)

    m = jnp.max(alpha, axis=2, keepdims=True)
    p = jnp.exp(alpha - m)
    s = jnp.sum(p, axis=2, keepdims=True)
    alpha = p / s
    out_ref[...] = jax.lax.dot_general(alpha, H, (((2,), (1,)), ((0,), (0,))),
                                       preferred_element_type=jnp.float32)


def _attention(h_flat, adj2, aw, B):
    return pl.pallas_call(
        _attn_body,
        grid=(B // BBLK,),
        in_specs=[
            pl.BlockSpec((BBLK * L, DIM), lambda i: (i, 0)),
            pl.BlockSpec((BBLK, L * L), lambda i: (i, 0)),
            pl.BlockSpec((4, DIM), lambda i: (0, 0)),
        ],
        out_specs=pl.BlockSpec((BBLK, L, DIM), lambda i: (i, 0, 0)),
        out_shape=jax.ShapeDtypeStruct((B, L, DIM), jnp.float32),
        compiler_params=pltpu.CompilerParams(
            dimension_semantics=("parallel",)),
    )(h_flat, adj2, aw)


def kernel(inputs, adj, mask_item, item, embedding, a_0, a_1, a_2, a_3):
    B, Ls = inputs.shape
    V, D = embedding.shape
    idx = inputs.reshape(B * Ls)
    h_flat = _make_sc_gather(V, D, B * Ls)(embedding, idx)
    aw = jnp.concatenate([a_0, a_1, a_2, a_3], axis=1).T
    return _attention(h_flat, adj.reshape(B, Ls * Ls), aw, B)

# --- scband reference (transcript-rebuilt; emitter-appended) ---
"""Pipeline reference for scband-combine-graph-78116865180316 (READ-ONLY COPY).

The authoritative reference and input builder live on the scoring server;
editing this copy changes nothing except your own understanding.
"""

import jax, jax.numpy as jnp
import numpy as np

DIM = 64
NUM_NODE = 100000
B = 1024
L = 20
ALPHA = 0.2

def _lrelu(x):
    return jnp.where(x > 0, x, ALPHA * x)

def setup_inputs(seed: int = 0) -> dict:
    key = jax.random.key(seed)
    ks = jax.random.split(key, 8)
    stdv = 1.0 / np.sqrt(DIM)
    inputs = jax.random.randint(ks[0], (B, L), 0, NUM_NODE, dtype=jnp.int32)
    adj = jax.random.randint(ks[1], (B, L, L), 0, 5, dtype=jnp.int32)
    mask_item = jnp.ones((B, L), dtype=jnp.float32)
    item = jax.random.randint(ks[2], (B, L), 0, NUM_NODE, dtype=jnp.int32)
    embedding = jax.random.uniform(ks[3], (NUM_NODE, DIM), minval=-stdv, maxval=stdv, dtype=jnp.float32)
    a_0 = jax.random.uniform(ks[4], (DIM, 1), minval=-stdv, maxval=stdv, dtype=jnp.float32)
    a_1 = jax.random.uniform(ks[5], (DIM, 1), minval=-stdv, maxval=stdv, dtype=jnp.float32)
    a_2 = jax.random.uniform(ks[6], (DIM, 1), minval=-stdv, maxval=stdv, dtype=jnp.float32)
    a_3 = jax.random.uniform(ks[7], (DIM, 1), minval=-stdv, maxval=stdv, dtype=jnp.float32)
    return {"inputs": inputs, "adj": adj, "mask_item": mask_item, "item": item,
            "embedding": embedding, "a_0": a_0, "a_1": a_1, "a_2": a_2, "a_3": a_3}

def reference(inputs, adj, mask_item, item, embedding, a_0, a_1, a_2, a_3):
    # h = self.embedding(inputs)  -- gather from item embedding table
    h = jnp.take(embedding, inputs, axis=0)  # [B, L, DIM]
    # LocalAggregator (GCE-GNN style): pairwise product attention with 4 edge-type scorers
    # a_input[b,i,j,:] = h[b,i,:] * h[b,j,:]
    a_input = h[:, :, None, :] * h[:, None, :, :]  # [B, L, L, DIM]
    e_0 = _lrelu(jnp.matmul(a_input, a_0)[..., 0])  # [B, L, L]
    e_1 = _lrelu(jnp.matmul(a_input, a_1)[..., 0])
    e_2 = _lrelu(jnp.matmul(a_input, a_2)[..., 0])
    e_3 = _lrelu(jnp.matmul(a_input, a_3)[..., 0])
    neg = -9e15 * jnp.ones_like(e_0)
    alpha = jnp.where(adj == 1, e_0, neg)
    alpha = jnp.where(adj == 2, e_1, alpha)
    alpha = jnp.where(adj == 3, e_2, alpha)
    alpha = jnp.where(adj == 4, e_3, alpha)
    alpha = jax.nn.softmax(alpha, axis=-1)
    h_local = jnp.matmul(alpha, h)  # [B, L, DIM]
    # F.dropout with dropout_local=0.0 / eval mode -> identity
    return h_local

if __name__ == "__main__":
    import jax
    _d = setup_inputs()
    print(jax.jit(kernel)(*tuple(_d.values())))

</pallas_src>

<mosaic_0001>
#map = affine_map<(d0, d1) -> (0, 0)>
#map1 = affine_map<(d0, d1) -> (0)>
module attributes {stable_mosaic.version = 14 : i64} {
  func.func @gather_k(%arg0: i32, %arg1: i32, %arg2: memref<100000x64xf32, #tpu.memory_space<hbm>>, %arg3: memref<20480xi32, #tpu.memory_space<hbm>>, %arg4: memref<20480x64xf32, #tpu.memory_space<hbm>>, %arg5: memref<640xi32, #tpu.memory_space<vmem>>, %arg6: memref<640x64xf32, #tpu.memory_space<vmem>>, %arg7: memref<!tpu.dma_semaphore, #tpu.memory_space<semaphore_mem>>) attributes {dimension_semantics = [#tpu.dimension_semantics<core_parallel>, #tpu.dimension_semantics<subcore_parallel>], iteration_bounds = array<i64: 2, 16>, scalar_prefetch = 0 : i64, scratch_operands = 3 : i64, tpu.core_type = #tpu.core_type<sc_vector_subcore>, window_params = [{transform_indices = #map}, {transform_indices = #map1}, {transform_indices = #map}]} {
    %mul3A = arith.constant 2 : i32
    %mul3A_0 = arith.muli %arg1, %mul3A : i32
    %add3A = arith.addi %mul3A_0, %arg0 : i32
    %mul3A_1 = arith.constant 640 : i32
    %mul3A_2 = arith.muli %add3A, %mul3A_1 : i32
    "tpu.region"() ({
      %run_scoped3A = tpu.sem_alloc : memref<!tpu.dma_semaphore, #tpu.memory_space<semaphore_mem>>
      %dma_start3A_7 = tpu.memref_slice %arg3[%mul3A_2] : memref<20480xi32, #tpu.memory_space<hbm>> -> memref<640xi32, #tpu.memory_space<hbm>>
      %dma_start3A_8 = tpu.memref_slice %arg3[%mul3A_2] : memref<20480xi32, #tpu.memory_space<hbm>> -> memref<640xi32, #tpu.memory_space<hbm>>
      tpu.enqueue_dma source(%dma_start3A_8 : memref<640xi32, #tpu.memory_space<hbm>>) target(%arg5 : memref<640xi32, #tpu.memory_space<vmem>>) target_semaphore(%run_scoped3A : memref<!tpu.dma_semaphore, #tpu.memory_space<semaphore_mem>>)
      %dma_wait3A_9 = tpu.memref_slice %arg3[%mul3A_2] : memref<20480xi32, #tpu.memory_space<hbm>> -> memref<640xi32, #tpu.memory_space<hbm>>
      %dma_wait3A_10 = tpu.memref_slice %arg3[%mul3A_2] : memref<20480xi32, #tpu.memory_space<hbm>> -> memref<640xi32, #tpu.memory_space<hbm>>
      tpu.wait_dma2 semaphore(%run_scoped3A : memref<!tpu.dma_semaphore, #tpu.memory_space<semaphore_mem>>) src(%dma_wait3A_10 : memref<640xi32, #tpu.memory_space<hbm>>) dst(%arg5 : memref<640xi32, #tpu.memory_space<vmem>>)
      tpu.yield
    }) : () -> ()
    %dma_start3A = arith.constant 0 : i32
    %dma_start3A_3 = arith.constant 0 : i32
    %dma_start3A_4 = tpu.memref_slice %arg2[%dma_start3A, %dma_start3A_3] : memref<100000x64xf32, #tpu.memory_space<hbm>> -> memref<100000x64xf32, #tpu.memory_space<hbm>>
    tpu.enqueue_indirect_dma source(%dma_start3A_4 : memref<100000x64xf32, #tpu.memory_space<hbm>>) target(%arg6 : memref<640x64xf32, #tpu.memory_space<vmem>>) offsets(%arg5 : memref<640xi32, #tpu.memory_space<vmem>>) semaphore(%arg7 : memref<!tpu.dma_semaphore, #tpu.memory_space<semaphore_mem>>)
    %dma_wait3A = arith.constant 0 : i32
    %dma_wait3A_5 = arith.constant 0 : i32
    %dma_wait3A_6 = tpu.memref_slice %arg2[%dma_wait3A, %dma_wait3A_5] : memref<100000x64xf32, #tpu.memory_space<hbm>> -> memref<100000x64xf32, #tpu.memory_space<hbm>>
    tpu.wait_indirect_dma semaphore(%arg7 : memref<!tpu.dma_semaphore, #tpu.memory_space<semaphore_mem>>) src(%dma_wait3A_6 : memref<100000x64xf32, #tpu.memory_space<hbm>>) dst(%arg6 : memref<640x64xf32, #tpu.memory_space<vmem>>)
    "tpu.region"() ({
      %run_scoped3A = tpu.sem_alloc : memref<!tpu.dma_semaphore, #tpu.memory_space<semaphore_mem>>
      %dma_start3A_7 = arith.constant 0 : i32
      %dma_start3A_8 = tpu.memref_slice %arg4[%mul3A_2, %dma_start3A_7] : memref<20480x64xf32, #tpu.memory_space<hbm>> -> memref<640x64xf32, #tpu.memory_space<hbm>>
      %dma_start3A_9 = arith.constant 0 : i32
      %dma_start3A_10 = tpu.memref_slice %arg4[%mul3A_2, %dma_start3A_9] : memref<20480x64xf32, #tpu.memory_space<hbm>> -> memref<640x64xf32, #tpu.memory_space<hbm>>
      tpu.enqueue_dma source(%arg6 : memref<640x64xf32, #tpu.memory_space<vmem>>) target(%dma_start3A_10 : memref<640x64xf32, #tpu.memory_space<hbm>>) target_semaphore(%run_scoped3A : memref<!tpu.dma_semaphore, #tpu.memory_space<semaphore_mem>>)
      %dma_wait3A_11 = arith.constant 0 : i32
      %dma_wait3A_12 = tpu.memref_slice %arg4[%mul3A_2, %dma_wait3A_11] : memref<20480x64xf32, #tpu.memory_space<hbm>> -> memref<640x64xf32, #tpu.memory_space<hbm>>
      %dma_wait3A_13 = arith.constant 0 : i32
      %dma_wait3A_14 = tpu.memref_slice %arg4[%mul3A_2, %dma_wait3A_13] : memref<20480x64xf32, #tpu.memory_space<hbm>> -> memref<640x64xf32, #tpu.memory_space<hbm>>
      tpu.wait_dma2 semaphore(%run_scoped3A : memref<!tpu.dma_semaphore, #tpu.memory_space<semaphore_mem>>) src(%arg6 : memref<640x64xf32, #tpu.memory_space<vmem>>) dst(%dma_wait3A_14 : memref<640x64xf32, #tpu.memory_space<hbm>>)
      tpu.yield
    }) : () -> ()
    return
  }
}

module attributes {stable_mosaic.version = 14 : i64} {
  func.func @_attn_body(%arg0: i32, %arg1: memref<2560x64xf32, #tpu.memory_space<vmem>>, %arg2: memref<128x400xi32, #tpu.memory_space<vmem>>, %arg3: memref<4x64xf32, #tpu.memory_space<vmem>>, %arg4: memref<128x20x64xf32, #tpu.memory_space<vmem>>) attributes {dimension_semantics = [#tpu.dimension_semantics<parallel>], iteration_bounds = array<i64: 8>, scalar_prefetch = 0 : i64, scratch_operands = 0 : i64, tpu.core_type = #tpu.core_type<tc>, window_params = [{transform_indices = @transform_0, window_bounds = array<i64: 2560, 64>}, {transform_indices = @transform_1, window_bounds = array<i64: 128, 400>}, {pipeline_mode = #tpu.pipeline_mode<synchronous>, transform_indices = @transform_2, window_bounds = array<i64: 4, 64>}, {transform_indices = @transform_3, window_bounds = array<i64: 128, 20, 64>}]} {
    %get3A = arith.constant 0 : index
    %get3A_0 = arith.constant 0 : index
    %get3A_1 = vector.load %arg1[%get3A, %get3A_0] : memref<2560x64xf32, #tpu.memory_space<vmem>>, vector<2560x64xf32>
    %reshape3A = vector.shape_cast %get3A_1 : vector<2560x64xf32> to vector<128x20x64xf32>
    %get3A_2 = arith.constant 0 : index
    %get3A_3 = arith.constant 0 : index
    %get3A_4 = vector.load %arg3[%get3A_2, %get3A_3] : memref<4x64xf32, #tpu.memory_space<vmem>>, vector<4x64xf32>
    %get3A_5 = arith.constant 0 : index
    %get3A_6 = arith.constant 0 : index
    %get3A_7 = vector.load %arg2[%get3A_5, %get3A_6] : memref<128x400xi32, #tpu.memory_space<vmem>>, vector<128x400xi32>
    %reshape3A_8 = vector.shape_cast %get3A_7 : vector<128x400xi32> to vector<128x20x20xi32>
    %convert_element_type3A = arith.truncf %reshape3A : vector<128x20x64xf32> to vector<128x20x64xbf16>
    %convert_element_type3A_9 = arith.truncf %get3A_4 : vector<4x64xf32> to vector<4x64xbf16>
    %broadcast_in_dim3A = arith.constant -9.000000e+15 : f32
    %broadcast_in_dim3A_10 = vector.broadcast %broadcast_in_dim3A : f32 to vector<128x20x20xf32>
    %slice3A = vector.extract_strided_slice %convert_element_type3A_9 {offsets = [0, 0], sizes = [1, 64], strides = [1, 1]} : vector<4x64xbf16> to vector<1x64xbf16>
    %squeeze3A = vector.shape_cast %slice3A : vector<1x64xbf16> to vector<64xbf16>
    %broadcast_in_dim3A_11 = vector.shape_cast %squeeze3A : vector<64xbf16> to vector<1x1x64xbf16>
    %mul3A = vector.broadcast %broadcast_in_dim3A_11 : vector<1x1x64xbf16> to vector<128x20x64xbf16>
    %mul3A_12 = arith.mulf %convert_element_type3A, %mul3A : vector<128x20x64xbf16>
    %dot_general3A = arith.constant dense<0.000000e+00> : vector<128x20x20xf32>
    %dot_general3A_13 = tpu.matmul %mul3A_12, %convert_element_type3A, %dot_general3A {dimension_numbers = #tpu.dot_dimension_numbers<[2], [2], [1], [1], [0, 0, 0, 1, 1, 1], [0], [0]>, transpose_lhs_hint = false} : vector<128x20x64xbf16>, vector<128x20x64xbf16>, vector<128x20x20xf32> -> vector<128x20x20xf32>
    %eq3A = arith.constant 1 : i32
    %eq3A_14 = vector.broadcast %eq3A : i32 to vector<128x20x20xi32>
    %eq3A_15 = arith.cmpi eq, %reshape3A_8, %eq3A_14 : vector<128x20x20xi32>
    %select_n3A = arith.select %eq3A_15, %dot_general3A_13, %broadcast_in_dim3A_10 : vector<128x20x20xi1>, vector<128x20x20xf32>
    %slice3A_16 = vector.extract_strided_slice %convert_element_type3A_9 {offsets = [1, 0], sizes = [1, 64], strides = [1, 1]} : vector<4x64xbf16> to vector<1x64xbf16>
    %squeeze3A_17 = vector.shape_cast %slice3A_16 : vector<1x64xbf16> to vector<64xbf16>
    %broadcast_in_dim3A_18 = vector.shape_cast %squeeze3A_17 : vector<64xbf16> to vector<1x1x64xbf16>
    %mul3A_19 = vector.broadcast %broadcast_in_dim3A_18 : vector<1x1x64xbf16> to vector<128x20x64xbf16>
    %mul3A_20 = arith.mulf %convert_element_type3A, %mul3A_19 : vector<128x20x64xbf16>
    %dot_general3A_21 = arith.constant dense<0.000000e+00> : vector<128x20x20xf32>
    %dot_general3A_22 = tpu.matmul %mul3A_20, %convert_element_type3A, %dot_general3A_21 {dimension_numbers = #tpu.dot_dimension_numbers<[2], [2], [1], [1], [0, 0, 0, 1, 1, 1], [0], [0]>, transpose_lhs_hint = false} : vector<128x20x64xbf16>, vector<128x20x64xbf16>, vector<128x20x20xf32> -> vector<128x20x20xf32>
    %eq3A_23 = arith.constant 2 : i32
    %eq3A_24 = vector.broadcast %eq3A_23 : i32 to vector<128x20x20xi32>
    %eq3A_25 = arith.cmpi eq, %reshape3A_8, %eq3A_24 : vector<128x20x20xi32>
    %select_n3A_26 = arith.select %eq3A_25, %dot_general3A_22, %select_n3A : vector<128x20x20xi1>, vector<128x20x20xf32>
    %slice3A_27 = vector.extract_strided_slice %convert_element_type3A_9 {offsets = [2, 0], sizes = [1, 64], strides = [1, 1]} : vector<4x64xbf16> to vector<1x64xbf16>
    %squeeze3A_28 = vector.shape_cast %slice3A_27 : vector<1x64xbf16> to vector<64xbf16>
    %broadcast_in_dim3A_29 = vector.shape_cast %squeeze3A_28 : vector<64xbf16> to vector<1x1x64xbf16>
    %mul3A_30 = vector.broadcast %broadcast_in_dim3A_29 : vector<1x1x64xbf16> to vector<128x20x64xbf16>
    %mul3A_31 = arith.mulf %convert_element_type3A, %mul3A_30 : vector<128x20x64xbf16>
    %dot_general3A_32 = arith.constant dense<0.000000e+00> : vector<128x20x20xf32>
    %dot_general3A_33 = tpu.matmul %mul3A_31, %convert_element_type3A, %dot_general3A_32 {dimension_numbers = #tpu.dot_dimension_numbers<[2], [2], [1], [1], [0, 0, 0, 1, 1, 1], [0], [0]>, transpose_lhs_hint = false} : vector<128x20x64xbf16>, vector<128x20x64xbf16>, vector<128x20x20xf32> -> vector<128x20x20xf32>
    %eq3A_34 = arith.constant 3 : i32
    %eq3A_35 = vector.broadcast %eq3A_34 : i32 to vector<128x20x20xi32>
    %eq3A_36 = arith.cmpi eq, %reshape3A_8, %eq3A_35 : vector<128x20x20xi32>
    %select_n3A_37 = arith.select %eq3A_36, %dot_general3A_33, %select_n3A_26 : vector<128x20x20xi1>, vector<128x20x20xf32>
    %slice3A_38 = vector.extract_strided_slice %convert_element_type3A_9 {offsets = [3, 0], sizes = [1, 64], strides = [1, 1]} : vector<4x64xbf16> to vector<1x64xbf16>
    %squeeze3A_39 = vector.shape_cast %slice3A_38 : vector<1x64xbf16> to vector<64xbf16>
    %broadcast_in_dim3A_40 = vector.shape_cast %squeeze3A_39 : vector<64xbf16> to vector<1x1x64xbf16>
    %mul3A_41 = vector.broadcast %broadcast_in_dim3A_40 : vector<1x1x64xbf16> to vector<128x20x64xbf16>
    %mul3A_42 = arith.mulf %convert_element_type3A, %mul3A_41 : vector<128x20x64xbf16>
    %dot_general3A_43 = arith.constant dense<0.000000e+00> : vector<128x20x20xf32>
    %dot_general3A_44 = tpu.matmul %mul3A_42, %convert_element_type3A, %dot_general3A_43 {dimension_numbers = #tpu.dot_dimension_numbers<[2], [2], [1], [1], [0, 0, 0, 1, 1, 1], [0], [0]>, transpose_lhs_hint = false} : vector<128x20x64xbf16>, vector<128x20x64xbf16>, vector<128x20x20xf32> -> vector<128x20x20xf32>
    %eq3A_45 = arith.constant 4 : i32
    %eq3A_46 = vector.broadcast %eq3A_45 : i32 to vector<128x20x20xi32>
    %eq3A_47 = arith.cmpi eq, %reshape3A_8, %eq3A_46 : vector<128x20x20xi32>
    %select_n3A_48 = arith.select %eq3A_47, %dot_general3A_44, %select_n3A_37 : vector<128x20x20xi1>, vector<128x20x20xf32>
    %gt3A = arith.constant 0.000000e+00 : f32
    %gt3A_49 = vector.broadcast %gt3A : f32 to vector<128x20x20xf32>
    %gt3A_50 = arith.cmpf ogt, %select_n3A_48, %gt3A_49 : vector<128x20x20xf32>
    %mul3A_51 = arith.constant 2.000000e-01 : f32
    %mul3A_52 = vector.broadcast %mul3A_51 : f32 to vector<128x20x20xf32>
    %mul3A_53 = arith.mulf %mul3A_52, %select_n3A_48 : vector<128x20x20xf32>
    %select_n3A_54 = arith.select %gt3A_50, %select_n3A_48, %mul3A_53 : vector<128x20x20xi1>, vector<128x20x20xf32>
    %reduce_max3A = arith.constant dense<0xFF800000> : vector<128x20xf32>
    %reduce_max3A_55 = vector.multi_reduction <maximumf>, %select_n3A_54, %reduce_max3A [2] : vector<128x20x20xf32> to vector<128x20xf32>
    %broadcast_in_dim3A_56 = vector.shape_cast %reduce_max3A_55 : vector<128x20xf32> to vector<128x20x1xf32>
    %sub3A = vector.broadcast %broadcast_in_dim3A_56 : vector<128x20x1xf32> to vector<128x20x20xf32>
    %sub3A_57 = arith.subf %select_n3A_54, %sub3A : vector<128x20x20xf32>
    %exp3A = math.exp %sub3A_57 : vector<128x20x20xf32>
    %reduce_sum3A = arith.constant dense<0.000000e+00> : vector<128x20xf32>
    %reduce_sum3A_58 = vector.multi_reduction <add>, %exp3A, %reduce_sum3A [2] : vector<128x20x20xf32> to vector<128x20xf32>
    %broadcast_in_dim3A_59 = vector.shape_cast %reduce_sum3A_58 : vector<128x20xf32> to vector<128x20x1xf32>
    %div3A = vector.broadcast %broadcast_in_dim3A_59 : vector<128x20x1xf32> to vector<128x20x20xf32>
    %div3A_60 = arith.divf %exp3A, %div3A : vector<128x20x20xf32>
    %dot_general3A_61 = arith.constant dense<0.000000e+00> : vector<128x20x64xf32>
    %dot_general3A_62 = tpu.matmul %div3A_60, %reshape3A, %dot_general3A_61 {dimension_numbers = #tpu.dot_dimension_numbers<[2], [1], [1], [2], [0, 0, 0, 1, 1, 2], [0], [0]>, transpose_lhs_hint = false} : vector<128x20x20xf32>, vector<128x20x64xf32>, vector<128x20x64xf32> -> vector<128x20x64xf32>
    %swap3A = arith.constant 0 : index
    %swap3A_63 = arith.constant 0 : index
    %swap3A_64 = arith.constant 0 : index
    %swap3A_65 = vector.load %arg4[%swap3A, %swap3A_63, %swap3A_64] : memref<128x20x64xf32, #tpu.memory_space<vmem>>, vector<128x20x64xf32>
    tpu.vector_store %arg4[%swap3A, %swap3A_63, %swap3A_64], %dot_general3A_62 {strides = array<i32>} : memref<128x20x64xf32, #tpu.memory_space<vmem>>, vector<128x20x64xf32>,
    return
  }
  func.func @transform_0(%arg0: i32) -> (i32, i32) {
    %c0_i32 = arith.constant 0 : i32
    %c0_i32_0 = arith.constant 0 : i32
    return %arg0, %c0_i32 : i32, i32
  }
  func.func @transform_1(%arg0: i32) -> (i32, i32) {
    %c0_i32 = arith.constant 0 : i32
    %c0_i32_0 = arith.constant 0 : i32
    return %arg0, %c0_i32 : i32, i32
  }
  func.func @transform_2(%arg0: i32) -> (i32, i32) {
    %c0_i32 = arith.constant 0 : i32
    %c0_i32_0 = arith.constant 0 : i32
    %c0_i32_1 = arith.constant 0 : i32
    return %c0_i32, %c0_i32_0 : i32, i32
  }
  func.func @transform_3(%arg0: i32) -> (i32, i32, i32) {
    %c0_i32 = arith.constant 0 : i32
    %c0_i32_0 = arith.constant 0 : i32
    %c0_i32_1 = arith.constant 0 : i32
    return %arg0, %c0_i32, %c0_i32_0 : i32, i32, i32
  }
}

</mosaic_0001>

<sc_bundles>
// kernel: kernel.4.cloned.1.call-start
scs
__scs_entry_jumppad:
0x0: {  	(pc) =	sbr.rel $0x88, $3  }
0x1: {  	(tag) =	ssettag $0x0;
	lr =	simm.s32 $0x1  }
0x2: {  	[smem:$0x3F9A] =	sst lr;
	_ =	strace $0xD0000000  }
0x3: {  	_ = 	snop  }
0x4: {  	_ = 	snop  }
0x5: {  	_ = 	snop  }
0x6: {  	_ = 	snop  }
0x7: {  	_ = 	snop  }
__scs_overlays_trampoline_lowered:
0x8: {  	[smem:$0x3FA9] =	sst s0  }
0x9: {  	[smem:$0x3FAA] =	sst s1  }
0xa: {  	[smem:$0x3FAB] =	sst s2  }
0xb: {  	[smem:$0x3FAC] =	sst s3  }
0xc: {  	[smem:$0x3FAD] =	sst s4  }
0xd: {  	[smem:$0x3FAE] =	sst s5  }
0xe: {  	[smem:$0x3FAF] =	sst s6  }
0xf: {  	[smem:$0x3FB0] =	sst s7  }
0x10: {  	[smem:$0x3FB1] =	sst s8  }
0x11: {  	[smem:$0x3FB2] =	sst s9;
	s0 =	simm.s32 @!p0 $0x0  }
0x12: {  	s1 =	sld [smem:$0x3F98];
	s0 =	simm.s32 @p0 $0x1  }
0x13: {  	[smem:$0x3FB3] =	sst s0;
	s0 =	simm.s32 @!p1 $0x0  }
0x14: {  	s2 =	sld [smem:$0x3F97];
	s0 =	simm.s32 @p1 $0x1  }
0x15: {  	[smem:$0x3FB4] =	sst s0;
	s0 =	simm.s32 @!p2 $0x0  }
0x16: {  	s3 =	sld [smem:$0x3FDB];
	s0 =	simm.s32 @p2 $0x1  }
0x17: {  	s4 =	simm.s32 $0x1BF5;
	[smem:$0x3FB6] =	sst s0  }
0x18: {  	s0 =	sld [smem:$0x3F99];
	_ =	swait.ge [sflag:s4], $0x0  }
0x19: {  	s7 =	sld [smem:$0x3F9A]  }
0x1a: {  	s8 =	sadd.s32 $0xFFFFE003, lr  }
0x1b: {  	s9 =	sadd.s32 $0xFFFFFEF7, lr;
	s5 =	simm.s32 $0xFFFFFFFF;
	p2 =	slt.u32 s8, $0xFFFFF086  }
0x1c: {  	p1 =	slt.u32 s9, $0xF7A;
	s5 =	simm.s32 @!p2 $0x0  }
0x1d: {  	s5 =	simm.s32 @p1 $0x1;
	p0 =	seq.s32 s7, s2  }
0x1e: {  	s7 =	smul.u32 @!p0 $0xF7A, s2;
	p2 =	seq.s32 @!p0 s5, $0x0  }
0x1f: {  	s9 =	smul.u32 $0xF7A, s1;
	s8 =	simm.s32 @!p0 $0x1BF5;
	p2 =	por !p2, p0  }
0x20: {  	[sflag:s8] =	ssyncset.s32 @!p0 $0xFFFFF086;
	s6 =	sadd.s32 @!p0 s3, s7;
	s7 =	simm.s32 @!p0 $0x108  }
0x21: {  	s3 =	sadd.s32 s3, s9;
	s6 =	sadd.s32 @!p0 $0x88, s6;
	s7 =	simm.s32 @p2 $0x1082  }
0x22: {  	[simem:s7], [sflag:s8] =	dma.local @!p0 [hbm:s6], $0xF7A  }
0x23: {  	s9 =	sor.u32 $0xD0000000, s2;
	s6 =	simm.s32 $0x108;
	_ =	swait.ge @!p0 [sflag:s8], $0x0  }
0x24: {  	s3 =	sadd.s32 $0x88, s3;
	s6 =	simm.s32 @!p1 $0x1082;
	[sflag:s4] =	ssyncset.s32 $0xFFFFF086  }
0x25: {  	[simem:s6], [sflag:s4] =	dma.local [hbm:s3], $0xF7A  }
0x26: {  	[smem:$0x3F9A] =	sst s1;
	(tag) =	ssettag s2;
	_ =	strace s9  }
0x27: {  	s1 =	sld [smem:$0x3FAA]  }
0x28: {  	s2 =	sld [smem:$0x3FAB]  }
0x29: {  	s4 =	sld [smem:$0x3FAD]  }
0x2a: {  	p0 =	seq.s32 s5, $0x0;
	s5 =	sld [smem:$0x3FAE]  }
0x2b: {  	s6 =	sld [smem:$0x3FAF]  }
0x2c: {  	s7 =	sld [smem:$0x3FB0]  }
0x2d: {  	s3 =	simm.s32 $0x108;
	s8 =	sld [smem:$0x3FB1]  }
0x2e: {  	s3 =	simm.s32 @!p0 $0x1082;
	s9 =	sld [smem:$0x3FB2]  }
0x2f: {  	lr =	sadd.s32 s0, s3;
	s0 =	sld [smem:$0x3FA9]  }
0x30: {  	s3 =	sld [smem:$0x3FAC]  }
0x31: {  	[smem:$0x3FB5] =	sst s10  }
0x32: {  	s10 =	sld [smem:$0x3FB3];
	_ =	sdelay $0x3  }
0x33: {  	p0 =	seq.s32 s10, $0x1;
	s10 =	sld [smem:$0x3FB5];
	_ =	sdelay $0x3  }
0x34: {  	[smem:$0x3FB5] =	sst s10  }
0x35: {  	s10 =	sld [smem:$0x3FB4];
	_ =	sdelay $0x3  }
0x36: {  	p1 =	seq.s32 s10, $0x1;
	s10 =	sld [smem:$0x3FB5];
	_ =	sdelay $0x3  }
0x37: {  	[smem:$0x3FB5] =	sst s10  }
0x38: {  	s10 =	sld [smem:$0x3FB6]  }
0x39: {  	_ = 	snop;
	(pc) =	sbr.ind lr, $3  }
0x3a: {  	_ = 	snop  }
0x3b: {  	_ = 	snop  }
0x3c: {  	p2 =	seq.s32 s10, $0x1;
	s10 =	sld [smem:$0x3FB5]  }
0x3d: {  	_ =	shalt  }
0x3e: {  	_ =	shalt  }
0x3f: {  	_ =	shalt  }
0x40: {  	_ =	shalt  }
0x41: {  	_ =	shalt  }
0x42: {  	_ =	shalt  }
0x43: {  	_ =	shalt  }
0x44: {  	_ =	shalt  }
0x45: {  	_ =	shalt  }
0x46: {  	_ =	shalt  }
0x47: {  	_ =	shalt  }
0x48: {  	_ =	shalt  }
0x49: {  	_ =	shalt  }
0x4a: {  	_ =	shalt  }
0x4b: {  	_ =	shalt  }
0x4c: {  	_ =	shalt  }
0x4d: {  	_ =	shalt  }
0x4e: {  	_ =	shalt  }
0x4f: {  	_ =	shalt  }
0x50: {  	_ =	shalt  }
0x51: {  	_ =	shalt  }
0x52: {  	_ =	shalt  }
0x53: {  	_ =	shalt  }
0x54: {  	_ =	shalt  }
0x55: {  	_ =	shalt  }
0x56: {  	_ =	shalt  }
0x57: {  	_ =	shalt  }
0x58: {  	_ =	shalt  }
0x59: {  	_ =	shalt  }
0x5a: {  	_ =	shalt  }
0x5b: {  	_ =	shalt  }
0x5c: {  	_ =	shalt  }
0x5d: {  	_ =	shalt  }
0x5e: {  	_ =	shalt  }
0x5f: {  	_ =	shalt  }
0x60: {  	_ =	shalt  }
0x61: {  	_ =	shalt  }
0x62: {  	_ =	shalt  }
0x63: {  	_ =	shalt  }
0x64: {  	_ =	shalt  }
0x65: {  	_ =	shalt  }
0x66: {  	_ =	shalt  }
0x67: {  	_ =	shalt  }
0x68: {  	_ =	shalt  }
0x69: {  	_ =	shalt  }
0x6a: {  	_ =	shalt  }
0x6b: {  	_ =	shalt  }
0x6c: {  	_ =	shalt  }
0x6d: {  	_ =	shalt  }
0x6e: {  	_ =	shalt  }
0x6f: {  	_ =	shalt  }
0x70: {  	_ =	shalt  }
0x71: {  	_ =	shalt  }
0x72: {  	_ =	shalt  }
0x73: {  	_ =	shalt  }
0x74: {  	_ =	shalt  }
0x75: {  	_ =	shalt  }
0x76: {  	_ =	shalt  }
0x77: {  	_ =	shalt  }
0x78: {  	_ =	shalt  }
0x79: {  	_ =	shalt  }
0x7a: {  	_ =	shalt  }
0x7b: {  	_ =	shalt  }
0x7c: {  	_ =	shalt  }
0x7d: {  	_ =	shalt  }
0x7e: {  	_ =	shalt  }
0x7f: {  	_ =	shalt  }
0x80: {  	_ =	shalt  }
0x81: {  	_ =	shalt  }
0x82: {  	_ =	shalt  }
0x83: {  	_ =	shalt  }
0x84: {  	_ =	shalt  }
0x85: {  	_ =	shalt  }
0x86: {  	_ =	shalt  }
0x87: {  	_ =	shalt  }
.Lfunc_end0:
.L_simem_size_0:
called_computation_lowered:
.L_overlay_start_0:
0x88: {  	s2 =	sld [smem:$0x3FD9]  }
0x89: {  	s3 =	sld [smem:$0x3FFE];
	_ =	sdelay $0x1  }
0x8a: {  	s1 =	srdreg.scid  }
0x8b: {  	s0 =	sand.u32 $0x1, s1  }
0x8c: {  	s17 =	sshll.u32 s0, $0xA;
	s2 =	sadd.s32 s3, s2  }
0x8d: {  	s2 =	sadd.s32 s2, s17  }
0x8e: {  	[smem:$0x3FC1] =	sst s2  }
0x8f: {  	_ = 	snop  }
0x90: {  	s2 =	sld [smem:$0x3FD0];
	(tm) =	ssettm $0x1  }
0x91: {  	s18 =	sld [smem:$0x3FFB];
	_ =	sdelay $0x3  }
0x92: {  	_ =	strace s18  }
0x93: {  	s3 =	sld [smem:$0x3FFC];
	_ =	sdelay $0x3  }
0x94: {  	_ =	strace s3  }
0x95: {  	s3 =	sld [smem:$0x3FFD];
	_ =	sdelay $0x3  }
0x96: {  	_ =	strace s3  }
0x97: {  	_ =	strace $0x8FFFFFFF  }
0x98: {  	s19 =	sld [smem:$0x3FDB];
	_ =	sdelay $0x1  }
0x99: {  	s4 =	simm.s32 $_scs_section_size  }
0x9a: {  	s5 =	simm.s32 $_size__tile_overlayer_lowered;
	s6 =	simm.s32 $_tile_overlayer_lowered  }
0x9b: {  	s22 =	simm.s32 $0x1BFF;
	s21 =	sshll.u32 s6, $0x1;
	s3 =	sadd.s32 s4, s19  }
0x9c: {  	s7 =	simm.s32 $0x0;
	s20 =	sshll.u32 s5, $0x1;
	s5 =	sadd.s32 s21, s3  }
0x9d: {  	[timem:s7], [sflag:s22] =	dma.local [hbm:s5], s20  }
0x9e: {  	_ =	swait.ge [sflag:s22], s20  }
0x9f: {  	s4 =	ssub.s32 $0x0, s20;
	[sflag:s22] =	ssyncset.done $0x0  }
0xa0: {  	[sflag:s22] =	ssyncadd.s32 s4;
	_ =	sdelay $0x1  }
0xa1: {  	s23 =	simm.s32 $0x1B8B  }
0xa2: {  	_ =	swait.ge [sflag:s23], $0x1  }
0xa3: {  	[sflag:s23] =	ssyncset.done $0x0  }
0xa4: {  	s25 =	simm.s32 $0x1B8E;
	s24 =	sld [smem:$0x3FFE];
	[sflag:s23] =	ssyncadd.s32 $0xFFFFFFFF  }
0xa5: {  	s26 =	simm.s32 $execute0_lowered;
	[smem:$0x3FD2] =	sst s25  }
0xa6: {  	s5 =	sshll.u32 s26, $0x1;
	_ =	strace $0x80000046;
	[dreg:$0x1] =	wrdreg $0xFFFFFFFF  }
0xa7: {  	s28 =	simm.s32 $_size_execute0_lowered;
	s3 =	sadd.s32 s3, s5;
	[dreg:$0x0] =	wrdreg $0x0  }
0xa8: {  	s5 =	sshll.u32 s28, $0x1;
	[dreg:$0x2] =	wrdreg s3  }
0xa9: {  	[dreg:$0x3] =	wrdreg s5  }
0xaa: {  	[dreg:$0x4] =	wrdreg $0xC0  }
0xab: {  	_ =	task [dreg:s7], $0x5FFFF  }
0xac: {  	[dreg:$0x1] =	wrdreg $0xFFFFFFFF  }
0xad: {  	[dreg:$0x0] =	wrdreg $0x60  }
0xae: {  	[dreg:$0x2] =	wrdreg s24  }
0xaf: {  	[dreg:$0x3] =	wrdreg s2  }
0xb0: {  	[dreg:$0x4] =	wrdreg $0x9  }
0xb1: {  	_ =	task.clear_ibuf [dreg:s7], $0x5FFFF;
	_ =	strace $0x90000046  }
0xb2: {  	s29 =	simm.s32 $0x9;
	_ =	strace $0x80000048  }
0xb3: {  	_ =	swait.ge [sflag:s29], $0x1  }
0xb4: {  	[sflag:s29] =	ssyncadd.s32 $0xFFFFFFFF  }
0xb5: {  	_ =	strace $0x90000048  }
0xb6: {  	_ =	sfence  }
0xb7: {  	s30 =	sld [smem:$0x0];
	_ =	sdelay $0x2  }
0xb8: {  	s31 =	sshll.u32 s1, $0xD;
	s1 =	sshrl.u32 s1, $0x2  }
0xb9: {  	s3 =	sand.u32 $0x4000, s31;
	s1 =	sadd.s32 s1, s30  }
0xba: {  	s0 =	sor.u32 s3, s0;
	s1 =	sshll.u32 s1, $0x11  }
0xbb: {  	s0 =	sor.u32 s1, s0  }
0xbc: {  	s0 =	sadd.s32 $0x8F2B, s0  }
0xbd: {  	[sflag:s0] =	ssyncadd.remote.s32 $0x1  }
0xbe: {  	_ =	sfence.sel $0xFFFF  }
0xbf: {  	[dreg:$0x0] =	wrdreg $0xFFFFFFFF;
	(pc) =	sbr.abs _section_cstart, $3  }
0xc0: {  	[dreg:$0x1] =	wrdreg $0xFFFFFFFF  }
0xc1: {  	_ =	task.clear_ibuf [dreg:s7], $0x2FFFF;
	_ =	strace $0x9FFFFFFF  }
0xc2: {  	(tm) =	ssettm $0x7FFFFFFF  }
0xc3: {  	_ =	shalt  }
tec
execute0_lowered:
.L_overlay_start_1:
0x0: {  	(tag) =	ssettag $0x1  }
0x1: {  	s1 =	srdreg.scid;
	s0 =	stileid.u32  }
0x2: {  	s6 =	sand.u32 $0x1, s1;
	s30 =	sshll.u32 s0, $0x1  }
0x3: {  	s5 =	rddreg [dreg:$0x0];
	s8 =	sor.u32 s6, s30  }
0x4: {  	s9 =	rddreg [dreg:$0x1];
	s2 =	simm.s32 $0x0;
	s3 =	smul.u32 $0x50, s8  }
0x5: {  	[smem:$0x7FF] =	sst s2  }
0x6: {  	s1 =	rddreg [dreg:$0x2];
	_ =	strace $0x80000047;
	s3 =	sadd.s32 s3, s5  }
0x7: {  	s10 =	ssub.s32 $0x2, s6;
	s4 =	sadd.s32 $0x1000, s3;
	s3 =	simm.s32 $0x2  }
0x8: {  	[tilespmem:s2], [sflag:$0x2] =	stream.linear.gather [hbm4b:s4+s2], $0x280, $0x38;
	[tilespmem:$0xA280] =	vst v63  }
0x9: {  	s7 =	simm.s32 $0x1;
	s11 =	sshrl.u32 s10, $0x1;
	_ =	swait.ge [sflag:s3], $0x280  }
0xa: {  	s6 =	simm.s32 $0x280;
	s10 =	ssub.s32 s10, s11;
	[sflag:s3] =	ssyncset.done $0x0  }
0xb: {  	s5 =	sadd.s32 $0x187A00, s5;
	s31 =	smax.u32 s10, $0x1;
	[sflag:s3] =	ssyncadd.s32 $0xFFFFFD80  }
0xc: {  	[tilespmem:s6], [sflag:$0x1] =	stream.indirect.gather [hbm4b:s5+s6], $0x40, s2, s6, $0xb8;
	[tilespmem:$0xA280] =	vst v63  }
0xd: {  	s8 =	smul.u32 $0x1400, s8;
	p0 =	sne.s32 s31, $0x1;
	_ =	swait.ge [sflag:s7], $0xA000  }
.Ltmp0:
0xe: {  	[sflag:s7] =	ssyncset.done $0x0;
	(pc) =	sbr.rel @!p0 .LBB2_2-.Ltmp0, $4  }
0xf: {  	s8 =	sadd.s32 s9, s8;
	[sflag:s7] =	ssyncadd.s32 $0xFFFF6000  }
0x10: {  	[hbm4b:s8+s2] =	stream.linear.scatter [tilespmem:s6], [sflag:$0x2], $0xA000, $0x38;
	[tilespmem:$0xA280] =	vst v63  }
0x11: {  	_ =	swait.ge [sflag:s3], $0xA000  }
0x12: {  	s9 =	sadd.s32 $0xFFFFFFFF, s31;
	[sflag:s3] =	ssyncset.done $0x0  }
.LBB2_1:
0x13: {  	p0 =	sne.s32 s9, $0x1;
	s9 =	sadd.s32 $0xFFFFFFFF, s9;
	[sflag:s3] =	ssyncadd.s32 $0xFFFF6000  }
0x14: {  	[tilespmem:s2], [sflag:$0x2] =	stream.linear.gather [hbm4b:s4+s2], $0x280, $0x38;
	[tilespmem:$0xA280] =	vst v63  }
0x15: {  	_ =	swait.ge [sflag:s3], $0x280  }
0x16: {  	[sflag:s3] =	ssyncset.done $0x0  }
0x17: {  	[sflag:s3] =	ssyncadd.s32 $0xFFFFFD80  }
0x18: {  	[tilespmem:s6], [sflag:$0x1] =	stream.indirect.gather [hbm4b:s5+s6], $0x40, s2, s6, $0xb8;
	[tilespmem:$0xA280] =	vst v63  }
0x19: {  	_ =	swait.ge [sflag:s7], $0xA000  }
.Ltmp1:
0x1a: {  	[sflag:s7] =	ssyncset.done $0x0;
	(pc) =	sbr.rel @p0 .LBB2_1-.Ltmp1, $4  }
0x1b: {  	[sflag:s7] =	ssyncadd.s32 $0xFFFF6000  }
0x1c: {  	[hbm4b:s8+s2] =	stream.linear.scatter [tilespmem:s6], [sflag:$0x2], $0xA000, $0x38;
	[tilespmem:$0xA280] =	vst v63  }
0x1d: {  	_ =	swait.ge [sflag:s3], $0xA000  }
0x1e: {  	[sflag:s3] =	ssyncset.done $0x0  }
.LBB2_2:
0x1f: {  	[sflag:s3] =	ssyncadd.s32 $0xFFFF6000  }
0x20: {  	_ =	sfence.sel $0x180000  }
0x21: {  	[bflag:$0x0] =	sbarrier.arrive $0xFFFF  }
0x22: {  	p0 =	sne.s32 s0, $0x0;
	_ =	strace $0x90000047  }
0x23: {  	s0 =	sadd.s32 @!p0 $0x100000, s1;
	[bflag:$0x2] =	sbarrier.arrive $0xFFFF  }
0x24: {  	[sflag:s0] =	ssyncadd.tile.s32 @!p0 $0x1;
	_ =	shalt  }
.Lfunc_end2:
_tile_overlayer_lowered:
.L_overlay_start_2:
0x25: {  	(tag) =	ssettag $0x2  }
0x26: {  	s0 =	rddreg [dreg:$0x0];
	s2 =	stileid.u32  }
0x27: {  	s1 =	rddreg [dreg:$0x1];
	p0 =	sne.s32 s2, $0x0  }
0x28: {  	s3 =	rddreg [dreg:$0x2];
	[bflag:$0x3] =	sbarrier.arrive $0xFFFF;
	s2 =	simm.s32 @!p0 $0x1C02  }
0x29: {  	[timem:s3], [sflag:s2] =	dma.local @!p0 [hbm:s0], s1  }
0x2a: {  	s0 =	simm.s32 @!p0 $0x2  }
0x2b: {  	_ =	swait.ge @!p0 [sflag:s0], s1  }
0x2c: {  	s1 =	ssub.s32 @!p0 $0x0, s1;
	[sflag:s0] =	ssyncset.done @!p0 $0x0  }
0x2d: {  	[sflag:s0] =	ssyncadd.s32 @!p0 s1  }
0x2e: {  	[bflag:$0x3] =	sbarrier.arrive $0xFFFF  }
0x2f: {  	_ =	shalt  }

</sc_bundles>
